<compile_context>
chip_gen: v7x
topology: tpu7x:2x2x1
jax: 0.10.2.dev20260603
libtpu: 0.0.44.dev20260713+nightly
codegen_flags: <defaults>
</compile_context>

<pallas_src>
import functools

import jax
import jax.numpy as jnp
from jax import lax
from jax.experimental import pallas as pl
from jax.experimental.pallas import tpu as pltpu
from jax.experimental.pallas import tpu_sc as plsc

NC, NS = 2, 16
NW = NC * NS
LANES = 16

BATCH = 1024
N_INPUTS = 4096
N_GATES = 16384
W = BATCH // 32
PACK_CB = 512


def _pack_body(x_ref, out_ref):
    xb = x_ref[...]
    x3 = xb.reshape(32, 32, PACK_CB)
    j = lax.broadcasted_iota(jnp.int32, x3.shape, 1)
    out_ref[...] = jnp.sum(x3 << j, axis=1)


_pack = pl.pallas_call(
    _pack_body,
    grid=(N_INPUTS // PACK_CB,),
    in_specs=[pl.BlockSpec((BATCH, PACK_CB), lambda i: (0, i))],
    out_specs=pl.BlockSpec((W, PACK_CB), lambda i: (0, i)),
    out_shape=jax.ShapeDtypeStruct((W, N_INPUTS), jnp.int32),
)


UNPACK_GB = 4096


def _unpack_body(p_ref, out_ref):
    pk = p_ref[...]
    b3 = jnp.broadcast_to(pk[:, None, :], (W, 32, UNPACK_GB))
    j = lax.broadcasted_iota(jnp.int32, b3.shape, 1)
    out_ref[...] = ((b3 >> j) & 1).astype(jnp.int8).reshape(BATCH, UNPACK_GB)


_unpack = pl.pallas_call(
    _unpack_body,
    grid=(N_GATES // UNPACK_GB,),
    in_specs=[pl.BlockSpec((W, UNPACK_GB), lambda i: (0, i))],
    out_specs=pl.BlockSpec((BATCH, UNPACK_GB), lambda i: (0, i)),
    out_shape=jax.ShapeDtypeStruct((BATCH, N_GATES), jnp.int8),
)


@functools.cache
def _make_sc_gate():
    mesh = plsc.VectorSubcoreMesh(
        core_axis_name="c", subcore_axis_name="s", num_cores=NC, num_subcores=NS)
    return functools.partial(
        pl.kernel,
        out_type=jax.ShapeDtypeStruct((W, N_GATES), jnp.int32),
        mesh=mesh,
        compiler_params=pltpu.CompilerParams(
            use_tc_tiling_on_sc=False, needs_layout_passes=False),
        scratch_types=[
            pltpu.VMEM((N_INPUTS,), jnp.int32),
            pltpu.VMEM((N_GATES,), jnp.int32),
            pltpu.VMEM((N_GATES,), jnp.int32),
            pltpu.SemaphoreType.DMA,
        ],
    )(_sc_gate_body)


def _sc_gate_body(xp_hbm, ctl_hbm, out_hbm, xrow_v, ctl_v, out_v, sem):
    w = lax.axis_index("s") * NC + lax.axis_index("c")
    d0 = pltpu.async_copy(xp_hbm.at[w], xrow_v, sem)
    d1 = pltpu.async_copy(ctl_hbm.at[:], ctl_v, sem)
    d0.wait()
    d1.wait()

    @plsc.parallel_loop(0, N_GATES // LANES, 1, unroll=8)
    def _loop(q):
        s = q * LANES
        ctl = ctl_v[pl.ds(s, LANES)]
        i0 = ctl & 0xFFF
        i1 = (ctl >> 12) & 0xFFF
        tt = ctl >> 24
        av = plsc.load_gather(xrow_v, [i0])
        bv = plsc.load_gather(xrow_v, [i1])
        t0 = -(tt & 1)
        t1 = -((tt >> 1) & 1)
        t2 = -((tt >> 2) & 1)
        t3 = -((tt >> 3) & 1)
        out_v[pl.ds(s, LANES)] = t0 ^ (av & t2) ^ (bv & (t1 ^ (av & t3)))
    pltpu.sync_copy(out_v, out_hbm.at[w])


def kernel(x, gates, choices):
    xp = _pack(x)
    g = gates.astype(jnp.int32)
    t0 = g[:, 0]
    t1 = g[:, 0] ^ g[:, 1]
    t2 = g[:, 0] ^ g[:, 2]
    t3 = g[:, 0] ^ g[:, 1] ^ g[:, 2] ^ g[:, 3]
    tt = t0 | (t1 << 1) | (t2 << 2) | (t3 << 3)
    ctl = choices[:, 0] | (choices[:, 1] << 12) | (tt << 24)
    pkw = _make_sc_gate()(xp, ctl)
    out8 = _unpack(pkw)
    return out8.view(jnp.bool_)

# --- scband reference (transcript-rebuilt; emitter-appended) ---
"""Pipeline reference for scband-gate-row-601295422061 (READ-ONLY COPY).

The authoritative reference and input builder live on the scoring server;
editing this copy changes nothing except your own understanding.
"""

import jax, jax.numpy as jnp
import numpy as np

N_GATES = 16384
N_INPUTS = 4096
BATCH = 1024

def setup_inputs(seed: int = 0) -> dict:
    key = jax.random.key(seed)
    k1, k2, k3 = jax.random.split(key, 3)
    # x holds binary activations (0/1) of the previous layer
    x = jax.random.randint(k1, (BATCH, N_INPUTS), 0, 2, dtype=jnp.int32)
    # learned/loaded hard-gate truth tables: bool [n_gates, 4]
    gates = jax.random.bernoulli(k2, 0.5, (N_GATES, 4))
    # per-gate input wiring: two input indices per gate, in [0, N_INPUTS)
    choices = jax.random.randint(k3, (N_GATES, 2), 0, N_INPUTS, dtype=jnp.int32)
    return {"x": x, "gates": gates, "choices": choices}

def reference(x, gates, choices):
    batch_size = x.shape[0]
    n_gates = gates.shape[0]
    # x.index_select(1, choices.flatten()).reshape(-1, n_gates, 2)
    chosen_inputs = jnp.take(x, choices.reshape(-1), axis=1).reshape(batch_size, n_gates, 2)
    output_val_indices = chosen_inputs[:, :, 0].astype(jnp.int32) * 2 + chosen_inputs[:, :, 1].astype(jnp.int32)
    output_val_indices = output_val_indices + 4 * jnp.arange(n_gates, dtype=jnp.int32)[None, :]
    output = jnp.take(gates.reshape(-1), output_val_indices.reshape(-1)).reshape(batch_size, n_gates)
    return output

if __name__ == "__main__":
    import jax
    _d = setup_inputs()
    print(jax.jit(kernel)(*tuple(_d.values())))

</pallas_src>

<mosaic_0001>
#map = affine_map<(d0, d1) -> (0, 0)>
#map1 = affine_map<(d0, d1) -> (0)>
module attributes {stable_mosaic.version = 14 : i64} {
  func.func @_sc_gate_body(%arg0: i32, %arg1: i32, %arg2: memref<32x4096xi32, #tpu.memory_space<hbm>>, %arg3: memref<16384xi32, #tpu.memory_space<hbm>>, %arg4: memref<32x16384xi32, #tpu.memory_space<hbm>>, %arg5: memref<4096xi32, #tpu.memory_space<vmem>>, %arg6: memref<16384xi32, #tpu.memory_space<vmem>>, %arg7: memref<16384xi32, #tpu.memory_space<vmem>>, %arg8: memref<!tpu.dma_semaphore, #tpu.memory_space<semaphore_mem>>) attributes {dimension_semantics = [#tpu.dimension_semantics<core_parallel>, #tpu.dimension_semantics<subcore_parallel>], iteration_bounds = array<i64: 2, 16>, scalar_prefetch = 0 : i64, scratch_operands = 4 : i64, tpu.core_type = #tpu.core_type<sc_vector_subcore>, window_params = [{transform_indices = #map}, {transform_indices = #map1}, {transform_indices = #map}]} {
    %mul3A = arith.constant 2 : i32
    %mul3A_0 = arith.muli %arg1, %mul3A : i32
    %add3A = arith.addi %mul3A_0, %arg0 : i32
    %dma_start3A = arith.constant 0 : i32
    %dma_start3A_1 = tpu.memref_slice %arg2[%add3A, %dma_start3A] : memref<32x4096xi32, #tpu.memory_space<hbm>> -> memref<1x4096xi32, #tpu.memory_space<hbm>>
    %dma_start3A_2 = tpu.memref_squeeze %dma_start3A_1 : memref<1x4096xi32, #tpu.memory_space<hbm>> -> memref<4096xi32, #tpu.memory_space<hbm>>
    %dma_start3A_3 = arith.constant 0 : i32
    %dma_start3A_4 = tpu.memref_slice %arg2[%add3A, %dma_start3A_3] : memref<32x4096xi32, #tpu.memory_space<hbm>> -> memref<1x4096xi32, #tpu.memory_space<hbm>>
    %dma_start3A_5 = tpu.memref_squeeze %dma_start3A_4 : memref<1x4096xi32, #tpu.memory_space<hbm>> -> memref<4096xi32, #tpu.memory_space<hbm>>
    tpu.enqueue_dma source(%dma_start3A_5 : memref<4096xi32, #tpu.memory_space<hbm>>) target(%arg5 : memref<4096xi32, #tpu.memory_space<vmem>>) target_semaphore(%arg8 : memref<!tpu.dma_semaphore, #tpu.memory_space<semaphore_mem>>)
    %dma_start3A_6 = arith.constant 0 : i32
    %dma_start3A_7 = tpu.memref_slice %arg3[%dma_start3A_6] : memref<16384xi32, #tpu.memory_space<hbm>> -> memref<16384xi32, #tpu.memory_space<hbm>>
    %dma_start3A_8 = arith.constant 0 : i32
    %dma_start3A_9 = tpu.memref_slice %arg3[%dma_start3A_8] : memref<16384xi32, #tpu.memory_space<hbm>> -> memref<16384xi32, #tpu.memory_space<hbm>>
    tpu.enqueue_dma source(%dma_start3A_9 : memref<16384xi32, #tpu.memory_space<hbm>>) target(%arg6 : memref<16384xi32, #tpu.memory_space<vmem>>) target_semaphore(%arg8 : memref<!tpu.dma_semaphore, #tpu.memory_space<semaphore_mem>>)
    %dma_wait3A = arith.constant 0 : i32
    %dma_wait3A_10 = tpu.memref_slice %arg2[%add3A, %dma_wait3A] : memref<32x4096xi32, #tpu.memory_space<hbm>> -> memref<1x4096xi32, #tpu.memory_space<hbm>>
    %dma_wait3A_11 = tpu.memref_squeeze %dma_wait3A_10 : memref<1x4096xi32, #tpu.memory_space<hbm>> -> memref<4096xi32, #tpu.memory_space<hbm>>
    %dma_wait3A_12 = arith.constant 0 : i32
    %dma_wait3A_13 = tpu.memref_slice %arg2[%add3A, %dma_wait3A_12] : memref<32x4096xi32, #tpu.memory_space<hbm>> -> memref<1x4096xi32, #tpu.memory_space<hbm>>
    %dma_wait3A_14 = tpu.memref_squeeze %dma_wait3A_13 : memref<1x4096xi32, #tpu.memory_space<hbm>> -> memref<4096xi32, #tpu.memory_space<hbm>>
    tpu.wait_dma2 semaphore(%arg8 : memref<!tpu.dma_semaphore, #tpu.memory_space<semaphore_mem>>) src(%dma_wait3A_14 : memref<4096xi32, #tpu.memory_space<hbm>>) dst(%arg5 : memref<4096xi32, #tpu.memory_space<vmem>>)
    %dma_wait3A_15 = arith.constant 0 : i32
    %dma_wait3A_16 = tpu.memref_slice %arg3[%dma_wait3A_15] : memref<16384xi32, #tpu.memory_space<hbm>> -> memref<16384xi32, #tpu.memory_space<hbm>>
    %dma_wait3A_17 = arith.constant 0 : i32
    %dma_wait3A_18 = tpu.memref_slice %arg3[%dma_wait3A_17] : memref<16384xi32, #tpu.memory_space<hbm>> -> memref<16384xi32, #tpu.memory_space<hbm>>
    tpu.wait_dma2 semaphore(%arg8 : memref<!tpu.dma_semaphore, #tpu.memory_space<semaphore_mem>>) src(%dma_wait3A_18 : memref<16384xi32, #tpu.memory_space<hbm>>) dst(%arg6 : memref<16384xi32, #tpu.memory_space<vmem>>)
    %parallel_loop3A = arith.constant 0 : i32
    %parallel_loop3A_19 = arith.constant 1024 : i32
    %parallel_loop3A_20 = arith.constant 1 : i32
    scf.for %parallel_loop3A_21 = %parallel_loop3A to %parallel_loop3A_19 step %parallel_loop3A_20  : i32 {
      %parallel_loop3A_22 = arith.constant 16 : i32
      %parallel_loop3A_23 = arith.muli %parallel_loop3A_21, %parallel_loop3A_22 : i32
      %parallel_loop3A_24 = arith.index_cast %parallel_loop3A_23 : i32 to index
      %parallel_loop3A_25 = tpu.vector_load %arg6[%parallel_loop3A_24] {strides = array<i32>} : memref<16384xi32, #tpu.memory_space<vmem>>, vector<16xi32>,
      %parallel_loop3A_26 = arith.constant 4095 : i32
      %parallel_loop3A_27 = vector.broadcast %parallel_loop3A_26 : i32 to vector<16xi32>
      %parallel_loop3A_28 = arith.andi %parallel_loop3A_25, %parallel_loop3A_27 : vector<16xi32>
      %parallel_loop3A_29 = arith.constant 12 : i32
      %parallel_loop3A_30 = vector.broadcast %parallel_loop3A_29 : i32 to vector<16xi32>
      %parallel_loop3A_31 = arith.shrsi %parallel_loop3A_25, %parallel_loop3A_30 : vector<16xi32>
      %parallel_loop3A_32 = arith.constant 4095 : i32
      %parallel_loop3A_33 = vector.broadcast %parallel_loop3A_32 : i32 to vector<16xi32>
      %parallel_loop3A_34 = arith.andi %parallel_loop3A_31, %parallel_loop3A_33 : vector<16xi32>
      %parallel_loop3A_35 = arith.constant 24 : i32
      %parallel_loop3A_36 = vector.broadcast %parallel_loop3A_35 : i32 to vector<16xi32>
      %parallel_loop3A_37 = arith.shrsi %parallel_loop3A_25, %parallel_loop3A_36 : vector<16xi32>
      %parallel_loop3A_38 = tpu.vector_load_idx %arg5[%parallel_loop3A_28] : memref<4096xi32, #tpu.memory_space<vmem>>[vector<16xi32>], vector<16xi32>,
      %parallel_loop3A_39 = tpu.vector_load_idx %arg5[%parallel_loop3A_34] : memref<4096xi32, #tpu.memory_space<vmem>>[vector<16xi32>], vector<16xi32>,
      %parallel_loop3A_40 = arith.constant 1 : i32
      %parallel_loop3A_41 = vector.broadcast %parallel_loop3A_40 : i32 to vector<16xi32>
      %parallel_loop3A_42 = arith.andi %parallel_loop3A_37, %parallel_loop3A_41 : vector<16xi32>
      %parallel_loop3A_43 = arith.constant 0 : i32
      %parallel_loop3A_44 = vector.broadcast %parallel_loop3A_43 : i32 to vector<16xi32>
      %parallel_loop3A_45 = arith.subi %parallel_loop3A_44, %parallel_loop3A_42 : vector<16xi32>
      %parallel_loop3A_46 = arith.constant 1 : i32
      %parallel_loop3A_47 = vector.broadcast %parallel_loop3A_46 : i32 to vector<16xi32>
      %parallel_loop3A_48 = arith.shrsi %parallel_loop3A_37, %parallel_loop3A_47 : vector<16xi32>
      %parallel_loop3A_49 = arith.constant 1 : i32
      %parallel_loop3A_50 = vector.broadcast %parallel_loop3A_49 : i32 to vector<16xi32>
      %parallel_loop3A_51 = arith.andi %parallel_loop3A_48, %parallel_loop3A_50 : vector<16xi32>
      %parallel_loop3A_52 = arith.constant 0 : i32
      %parallel_loop3A_53 = vector.broadcast %parallel_loop3A_52 : i32 to vector<16xi32>
      %parallel_loop3A_54 = arith.subi %parallel_loop3A_53, %parallel_loop3A_51 : vector<16xi32>
      %parallel_loop3A_55 = arith.constant 2 : i32
      %parallel_loop3A_56 = vector.broadcast %parallel_loop3A_55 : i32 to vector<16xi32>
      %parallel_loop3A_57 = arith.shrsi %parallel_loop3A_37, %parallel_loop3A_56 : vector<16xi32>
      %parallel_loop3A_58 = arith.constant 1 : i32
      %parallel_loop3A_59 = vector.broadcast %parallel_loop3A_58 : i32 to vector<16xi32>
      %parallel_loop3A_60 = arith.andi %parallel_loop3A_57, %parallel_loop3A_59 : vector<16xi32>
      %parallel_loop3A_61 = arith.constant 0 : i32
      %parallel_loop3A_62 = vector.broadcast %parallel_loop3A_61 : i32 to vector<16xi32>
      %parallel_loop3A_63 = arith.subi %parallel_loop3A_62, %parallel_loop3A_60 : vector<16xi32>
      %parallel_loop3A_64 = arith.constant 3 : i32
      %parallel_loop3A_65 = vector.broadcast %parallel_loop3A_64 : i32 to vector<16xi32>
      %parallel_loop3A_66 = arith.shrsi %parallel_loop3A_37, %parallel_loop3A_65 : vector<16xi32>
      %parallel_loop3A_67 = arith.constant 1 : i32
      %parallel_loop3A_68 = vector.broadcast %parallel_loop3A_67 : i32 to vector<16xi32>
      %parallel_loop3A_69 = arith.andi %parallel_loop3A_66, %parallel_loop3A_68 : vector<16xi32>
      %parallel_loop3A_70 = arith.constant 0 : i32
      %parallel_loop3A_71 = vector.broadcast %parallel_loop3A_70 : i32 to vector<16xi32>
      %parallel_loop3A_72 = arith.subi %parallel_loop3A_71, %parallel_loop3A_69 : vector<16xi32>
      %parallel_loop3A_73 = arith.andi %parallel_loop3A_38, %parallel_loop3A_63 : vector<16xi32>
      %parallel_loop3A_74 = arith.xori %parallel_loop3A_45, %parallel_loop3A_73 : vector<16xi32>
      %parallel_loop3A_75 = arith.andi %parallel_loop3A_38, %parallel_loop3A_72 : vector<16xi32>
      %parallel_loop3A_76 = arith.xori %parallel_loop3A_54, %parallel_loop3A_75 : vector<16xi32>
      %parallel_loop3A_77 = arith.andi %parallel_loop3A_39, %parallel_loop3A_76 : vector<16xi32>
      %parallel_loop3A_78 = arith.xori %parallel_loop3A_74, %parallel_loop3A_77 : vector<16xi32>
      %parallel_loop3A_79 = arith.index_cast %parallel_loop3A_23 : i32 to index
      %parallel_loop3A_80 = tpu.vector_load %arg7[%parallel_loop3A_79] {strides = array<i32>} : memref<16384xi32, #tpu.memory_space<vmem>>, vector<16xi32>,
      tpu.vector_store %arg7[%parallel_loop3A_79], %parallel_loop3A_78 {strides = array<i32>} : memref<16384xi32, #tpu.memory_space<vmem>>, vector<16xi32>,
    } {sc.loop_unroll_factor = 8 : i64, sc.parallel_access}
    "tpu.region"() ({
      %run_scoped3A = tpu.sem_alloc : memref<!tpu.dma_semaphore, #tpu.memory_space<semaphore_mem>>
      %dma_start3A_21 = arith.constant 0 : i32
      %dma_start3A_22 = tpu.memref_slice %arg4[%add3A, %dma_start3A_21] : memref<32x16384xi32, #tpu.memory_space<hbm>> -> memref<1x16384xi32, #tpu.memory_space<hbm>>
      %dma_start3A_23 = tpu.memref_squeeze %dma_start3A_22 : memref<1x16384xi32, #tpu.memory_space<hbm>> -> memref<16384xi32, #tpu.memory_space<hbm>>
      %dma_start3A_24 = arith.constant 0 : i32
      %dma_start3A_25 = tpu.memref_slice %arg4[%add3A, %dma_start3A_24] : memref<32x16384xi32, #tpu.memory_space<hbm>> -> memref<1x16384xi32, #tpu.memory_space<hbm>>
      %dma_start3A_26 = tpu.memref_squeeze %dma_start3A_25 : memref<1x16384xi32, #tpu.memory_space<hbm>> -> memref<16384xi32, #tpu.memory_space<hbm>>
      tpu.enqueue_dma source(%arg7 : memref<16384xi32, #tpu.memory_space<vmem>>) target(%dma_start3A_26 : memref<16384xi32, #tpu.memory_space<hbm>>) target_semaphore(%run_scoped3A : memref<!tpu.dma_semaphore, #tpu.memory_space<semaphore_mem>>)
      %dma_wait3A_27 = arith.constant 0 : i32
      %dma_wait3A_28 = tpu.memref_slice %arg4[%add3A, %dma_wait3A_27] : memref<32x16384xi32, #tpu.memory_space<hbm>> -> memref<1x16384xi32, #tpu.memory_space<hbm>>
      %dma_wait3A_29 = tpu.memref_squeeze %dma_wait3A_28 : memref<1x16384xi32, #tpu.memory_space<hbm>> -> memref<16384xi32, #tpu.memory_space<hbm>>
      %dma_wait3A_30 = arith.constant 0 : i32
      %dma_wait3A_31 = tpu.memref_slice %arg4[%add3A, %dma_wait3A_30] : memref<32x16384xi32, #tpu.memory_space<hbm>> -> memref<1x16384xi32, #tpu.memory_space<hbm>>
      %dma_wait3A_32 = tpu.memref_squeeze %dma_wait3A_31 : memref<1x16384xi32, #tpu.memory_space<hbm>> -> memref<16384xi32, #tpu.memory_space<hbm>>
      tpu.wait_dma2 semaphore(%run_scoped3A : memref<!tpu.dma_semaphore, #tpu.memory_space<semaphore_mem>>) src(%arg7 : memref<16384xi32, #tpu.memory_space<vmem>>) dst(%dma_wait3A_32 : memref<16384xi32, #tpu.memory_space<hbm>>)
      tpu.yield
    }) : () -> ()
    return
  }
}

module attributes {stable_mosaic.version = 14 : i64} {
  func.func @_pack_body(%arg0: i32, %arg1: memref<1024x512xi32, #tpu.memory_space<vmem>>, %arg2: memref<32x512xi32, #tpu.memory_space<vmem>>) attributes {dimension_semantics = [#tpu.dimension_semantics<arbitrary>], iteration_bounds = array<i64: 8>, scalar_prefetch = 0 : i64, scratch_operands = 0 : i64, tpu.core_type = #tpu.core_type<tc>, window_params = [{transform_indices = @transform_0, window_bounds = array<i64: 1024, 512>}, {transform_indices = @transform_1, window_bounds = array<i64: 32, 512>}]} {
    %get3A = arith.constant 0 : index
    %get3A_0 = arith.constant 0 : index
    %get3A_1 = vector.load %arg1[%get3A, %get3A_0] : memref<1024x512xi32, #tpu.memory_space<vmem>>, vector<1024x512xi32>
    %reshape3A = vector.shape_cast %get3A_1 : vector<1024x512xi32> to vector<32x32x512xi32>
    %iota3A = tpu.iota {dimensions = array<i32: 1>} : vector<32x32x512xi32>
    %shift_left3A = arith.shli %reshape3A, %iota3A : vector<32x32x512xi32>
    %reduce_sum3A = arith.constant dense<0> : vector<32x512xi32>
    %reduce_sum3A_2 = vector.multi_reduction <add>, %shift_left3A, %reduce_sum3A [1] : vector<32x32x512xi32> to vector<32x512xi32>
    %swap3A = arith.constant 0 : index
    %swap3A_3 = arith.constant 0 : index
    %swap3A_4 = vector.load %arg2[%swap3A, %swap3A_3] : memref<32x512xi32, #tpu.memory_space<vmem>>, vector<32x512xi32>
    tpu.vector_store %arg2[%swap3A, %swap3A_3], %reduce_sum3A_2 {strides = array<i32>} : memref<32x512xi32, #tpu.memory_space<vmem>>, vector<32x512xi32>,
    return
  }
  func.func @transform_0(%arg0: i32) -> (i32, i32) {
    %c0_i32 = arith.constant 0 : i32
    %c0_i32_0 = arith.constant 0 : i32
    return %c0_i32, %arg0 : i32, i32
  }
  func.func @transform_1(%arg0: i32) -> (i32, i32) {
    %c0_i32 = arith.constant 0 : i32
    %c0_i32_0 = arith.constant 0 : i32
    return %c0_i32, %arg0 : i32, i32
  }
}

module attributes {stable_mosaic.version = 14 : i64} {
  func.func @_unpack_body(%arg0: i32, %arg1: memref<32x4096xi32, #tpu.memory_space<vmem>>, %arg2: memref<1024x4096xi8, #tpu.memory_space<vmem>>) attributes {dimension_semantics = [#tpu.dimension_semantics<arbitrary>], iteration_bounds = array<i64: 4>, scalar_prefetch = 0 : i64, scratch_operands = 0 : i64, tpu.core_type = #tpu.core_type<tc>, window_params = [{transform_indices = @transform_0, window_bounds = array<i64: 32, 4096>}, {transform_indices = @transform_1, window_bounds = array<i64: 1024, 4096>}]} {
    %get3A = arith.constant 0 : index
    %get3A_0 = arith.constant 0 : index
    %get3A_1 = vector.load %arg1[%get3A, %get3A_0] : memref<32x4096xi32, #tpu.memory_space<vmem>>, vector<32x4096xi32>
    %broadcast_in_dim3A = vector.shape_cast %get3A_1 : vector<32x4096xi32> to vector<32x1x4096xi32>
    %broadcast_in_dim3A_2 = vector.shape_cast %broadcast_in_dim3A : vector<32x1x4096xi32> to vector<32x1x4096xi32>
    %broadcast_in_dim3A_3 = vector.broadcast %broadcast_in_dim3A_2 : vector<32x1x4096xi32> to vector<32x32x4096xi32>
    %iota3A = tpu.iota {dimensions = array<i32: 1>} : vector<32x32x4096xi32>
    %shift_right_arithmetic3A = arith.shrsi %broadcast_in_dim3A_3, %iota3A : vector<32x32x4096xi32>
    %and3A = arith.constant 1 : i32
    %and3A_4 = vector.broadcast %and3A : i32 to vector<32x32x4096xi32>
    %and3A_5 = arith.andi %shift_right_arithmetic3A, %and3A_4 : vector<32x32x4096xi32>
    %convert_element_type3A = arith.trunci %and3A_5 : vector<32x32x4096xi32> to vector<32x32x4096xi8>
    %reshape3A = vector.shape_cast %convert_element_type3A : vector<32x32x4096xi8> to vector<1024x4096xi8>
    %swap3A = arith.constant 0 : index
    %swap3A_6 = arith.constant 0 : index
    %swap3A_7 = vector.load %arg2[%swap3A, %swap3A_6] : memref<1024x4096xi8, #tpu.memory_space<vmem>>, vector<1024x4096xi8>
    tpu.vector_store %arg2[%swap3A, %swap3A_6], %reshape3A {strides = array<i32>} : memref<1024x4096xi8, #tpu.memory_space<vmem>>, vector<1024x4096xi8>,
    return
  }
  func.func @transform_0(%arg0: i32) -> (i32, i32) {
    %c0_i32 = arith.constant 0 : i32
    %c0_i32_0 = arith.constant 0 : i32
    return %c0_i32, %arg0 : i32, i32
  }
  func.func @transform_1(%arg0: i32) -> (i32, i32) {
    %c0_i32 = arith.constant 0 : i32
    %c0_i32_0 = arith.constant 0 : i32
    return %c0_i32, %arg0 : i32, i32
  }
}

</mosaic_0001>

<sc_bundles>
// kernel: kernel.5.cloned.1.call-start
scs
__scs_entry_jumppad:
0x0: {  	(pc) =	sbr.rel $0x88, $3  }
0x1: {  	(tag) =	ssettag $0x0;
	lr =	simm.s32 $0x1  }
0x2: {  	[smem:$0x3F9E] =	sst lr;
	_ =	strace $0xD0000000  }
0x3: {  	_ = 	snop  }
0x4: {  	_ = 	snop  }
0x5: {  	_ = 	snop  }
0x6: {  	_ = 	snop  }
0x7: {  	_ = 	snop  }
__scs_overlays_trampoline_lowered:
0x8: {  	[smem:$0x3FAD] =	sst s0  }
0x9: {  	[smem:$0x3FAE] =	sst s1  }
0xa: {  	[smem:$0x3FAF] =	sst s2  }
0xb: {  	[smem:$0x3FB0] =	sst s3  }
0xc: {  	[smem:$0x3FB1] =	sst s4  }
0xd: {  	[smem:$0x3FB2] =	sst s5  }
0xe: {  	[smem:$0x3FB3] =	sst s6  }
0xf: {  	[smem:$0x3FB4] =	sst s7  }
0x10: {  	[smem:$0x3FB5] =	sst s8  }
0x11: {  	[smem:$0x3FB6] =	sst s9;
	s0 =	simm.s32 @!p0 $0x0  }
0x12: {  	s1 =	sld [smem:$0x3F9C];
	s0 =	simm.s32 @p0 $0x1  }
0x13: {  	[smem:$0x3FB7] =	sst s0;
	s0 =	simm.s32 @!p1 $0x0  }
0x14: {  	s2 =	sld [smem:$0x3F9B];
	s0 =	simm.s32 @p1 $0x1  }
0x15: {  	[smem:$0x3FB8] =	sst s0;
	s0 =	simm.s32 @!p2 $0x0  }
0x16: {  	s3 =	sld [smem:$0x3FDB];
	s0 =	simm.s32 @p2 $0x1  }
0x17: {  	s4 =	simm.s32 $0x1BF5;
	[smem:$0x3FBA] =	sst s0  }
0x18: {  	s0 =	sld [smem:$0x3F9D];
	_ =	swait.ge [sflag:s4], $0x0  }
0x19: {  	s7 =	sld [smem:$0x3F9E]  }
0x1a: {  	s8 =	sadd.s32 $0xFFFFE003, lr  }
0x1b: {  	s9 =	sadd.s32 $0xFFFFFEF7, lr;
	s5 =	simm.s32 $0xFFFFFFFF;
	p2 =	slt.u32 s8, $0xFFFFF086  }
0x1c: {  	p1 =	slt.u32 s9, $0xF7A;
	s5 =	simm.s32 @!p2 $0x0  }
0x1d: {  	s5 =	simm.s32 @p1 $0x1;
	p0 =	seq.s32 s7, s2  }
0x1e: {  	s7 =	smul.u32 @!p0 $0xF7A, s2;
	p2 =	seq.s32 @!p0 s5, $0x0  }
0x1f: {  	s9 =	smul.u32 $0xF7A, s1;
	s8 =	simm.s32 @!p0 $0x1BF5;
	p2 =	por !p2, p0  }
0x20: {  	[sflag:s8] =	ssyncset.s32 @!p0 $0xFFFFF086;
	s6 =	sadd.s32 @!p0 s3, s7;
	s7 =	simm.s32 @!p0 $0x108  }
0x21: {  	s3 =	sadd.s32 s3, s9;
	s6 =	sadd.s32 @!p0 $0x88, s6;
	s7 =	simm.s32 @p2 $0x1082  }
0x22: {  	[simem:s7], [sflag:s8] =	dma.local @!p0 [hbm:s6], $0xF7A  }
0x23: {  	s9 =	sor.u32 $0xD0000000, s2;
	s6 =	simm.s32 $0x108;
	_ =	swait.ge @!p0 [sflag:s8], $0x0  }
0x24: {  	s3 =	sadd.s32 $0x88, s3;
	s6 =	simm.s32 @!p1 $0x1082;
	[sflag:s4] =	ssyncset.s32 $0xFFFFF086  }
0x25: {  	[simem:s6], [sflag:s4] =	dma.local [hbm:s3], $0xF7A  }
0x26: {  	[smem:$0x3F9E] =	sst s1;
	(tag) =	ssettag s2;
	_ =	strace s9  }
0x27: {  	s1 =	sld [smem:$0x3FAE]  }
0x28: {  	s2 =	sld [smem:$0x3FAF]  }
0x29: {  	s4 =	sld [smem:$0x3FB1]  }
0x2a: {  	p0 =	seq.s32 s5, $0x0;
	s5 =	sld [smem:$0x3FB2]  }
0x2b: {  	s6 =	sld [smem:$0x3FB3]  }
0x2c: {  	s7 =	sld [smem:$0x3FB4]  }
0x2d: {  	s3 =	simm.s32 $0x108;
	s8 =	sld [smem:$0x3FB5]  }
0x2e: {  	s3 =	simm.s32 @!p0 $0x1082;
	s9 =	sld [smem:$0x3FB6]  }
0x2f: {  	lr =	sadd.s32 s0, s3;
	s0 =	sld [smem:$0x3FAD]  }
0x30: {  	s3 =	sld [smem:$0x3FB0]  }
0x31: {  	[smem:$0x3FB9] =	sst s10  }
0x32: {  	s10 =	sld [smem:$0x3FB7];
	_ =	sdelay $0x3  }
0x33: {  	p0 =	seq.s32 s10, $0x1;
	s10 =	sld [smem:$0x3FB9];
	_ =	sdelay $0x3  }
0x34: {  	[smem:$0x3FB9] =	sst s10  }
0x35: {  	s10 =	sld [smem:$0x3FB8];
	_ =	sdelay $0x3  }
0x36: {  	p1 =	seq.s32 s10, $0x1;
	s10 =	sld [smem:$0x3FB9];
	_ =	sdelay $0x3  }
0x37: {  	[smem:$0x3FB9] =	sst s10  }
0x38: {  	s10 =	sld [smem:$0x3FBA]  }
0x39: {  	_ = 	snop;
	(pc) =	sbr.ind lr, $3  }
0x3a: {  	_ = 	snop  }
0x3b: {  	_ = 	snop  }
0x3c: {  	p2 =	seq.s32 s10, $0x1;
	s10 =	sld [smem:$0x3FB9]  }
0x3d: {  	_ =	shalt  }
0x3e: {  	_ =	shalt  }
0x3f: {  	_ =	shalt  }
0x40: {  	_ =	shalt  }
0x41: {  	_ =	shalt  }
0x42: {  	_ =	shalt  }
0x43: {  	_ =	shalt  }
0x44: {  	_ =	shalt  }
0x45: {  	_ =	shalt  }
0x46: {  	_ =	shalt  }
0x47: {  	_ =	shalt  }
0x48: {  	_ =	shalt  }
0x49: {  	_ =	shalt  }
0x4a: {  	_ =	shalt  }
0x4b: {  	_ =	shalt  }
0x4c: {  	_ =	shalt  }
0x4d: {  	_ =	shalt  }
0x4e: {  	_ =	shalt  }
0x4f: {  	_ =	shalt  }
0x50: {  	_ =	shalt  }
0x51: {  	_ =	shalt  }
0x52: {  	_ =	shalt  }
0x53: {  	_ =	shalt  }
0x54: {  	_ =	shalt  }
0x55: {  	_ =	shalt  }
0x56: {  	_ =	shalt  }
0x57: {  	_ =	shalt  }
0x58: {  	_ =	shalt  }
0x59: {  	_ =	shalt  }
0x5a: {  	_ =	shalt  }
0x5b: {  	_ =	shalt  }
0x5c: {  	_ =	shalt  }
0x5d: {  	_ =	shalt  }
0x5e: {  	_ =	shalt  }
0x5f: {  	_ =	shalt  }
0x60: {  	_ =	shalt  }
0x61: {  	_ =	shalt  }
0x62: {  	_ =	shalt  }
0x63: {  	_ =	shalt  }
0x64: {  	_ =	shalt  }
0x65: {  	_ =	shalt  }
0x66: {  	_ =	shalt  }
0x67: {  	_ =	shalt  }
0x68: {  	_ =	shalt  }
0x69: {  	_ =	shalt  }
0x6a: {  	_ =	shalt  }
0x6b: {  	_ =	shalt  }
0x6c: {  	_ =	shalt  }
0x6d: {  	_ =	shalt  }
0x6e: {  	_ =	shalt  }
0x6f: {  	_ =	shalt  }
0x70: {  	_ =	shalt  }
0x71: {  	_ =	shalt  }
0x72: {  	_ =	shalt  }
0x73: {  	_ =	shalt  }
0x74: {  	_ =	shalt  }
0x75: {  	_ =	shalt  }
0x76: {  	_ =	shalt  }
0x77: {  	_ =	shalt  }
0x78: {  	_ =	shalt  }
0x79: {  	_ =	shalt  }
0x7a: {  	_ =	shalt  }
0x7b: {  	_ =	shalt  }
0x7c: {  	_ =	shalt  }
0x7d: {  	_ =	shalt  }
0x7e: {  	_ =	shalt  }
0x7f: {  	_ =	shalt  }
0x80: {  	_ =	shalt  }
0x81: {  	_ =	shalt  }
0x82: {  	_ =	shalt  }
0x83: {  	_ =	shalt  }
0x84: {  	_ =	shalt  }
0x85: {  	_ =	shalt  }
0x86: {  	_ =	shalt  }
0x87: {  	_ =	shalt  }
.Lfunc_end0:
.L_simem_size_0:
called_computation_lowered:
.L_overlay_start_0:
0x88: {  	s2 =	sld [smem:$0x3FD9]  }
0x89: {  	s3 =	sld [smem:$0x3FFE];
	_ =	sdelay $0x1  }
0x8a: {  	s1 =	srdreg.scid  }
0x8b: {  	s0 =	sand.u32 $0x1, s1  }
0x8c: {  	s17 =	sshll.u32 s0, $0xA;
	s2 =	sadd.s32 s3, s2  }
0x8d: {  	s2 =	sadd.s32 s2, s17  }
0x8e: {  	[smem:$0x3FC5] =	sst s2  }
0x8f: {  	_ = 	snop  }
0x90: {  	s2 =	sld [smem:$0x3FD0];
	(tm) =	ssettm $0x1  }
0x91: {  	s18 =	sld [smem:$0x3FFB];
	_ =	sdelay $0x3  }
0x92: {  	_ =	strace s18  }
0x93: {  	s3 =	sld [smem:$0x3FFC];
	_ =	sdelay $0x3  }
0x94: {  	_ =	strace s3  }
0x95: {  	s3 =	sld [smem:$0x3FFD];
	_ =	sdelay $0x3  }
0x96: {  	_ =	strace s3  }
0x97: {  	_ =	strace $0x8FFFFFFF  }
0x98: {  	s19 =	sld [smem:$0x3FDB];
	_ =	sdelay $0x1  }
0x99: {  	s4 =	simm.s32 $_scs_section_size  }
0x9a: {  	s5 =	simm.s32 $_size__tile_overlayer_lowered;
	s6 =	simm.s32 $_tile_overlayer_lowered  }
0x9b: {  	s22 =	simm.s32 $0x1BFF;
	s21 =	sshll.u32 s6, $0x1;
	s3 =	sadd.s32 s4, s19  }
0x9c: {  	s7 =	simm.s32 $0x0;
	s20 =	sshll.u32 s5, $0x1;
	s5 =	sadd.s32 s21, s3  }
0x9d: {  	[timem:s7], [sflag:s22] =	dma.local [hbm:s5], s20  }
0x9e: {  	_ =	swait.ge [sflag:s22], s20  }
0x9f: {  	s4 =	ssub.s32 $0x0, s20;
	[sflag:s22] =	ssyncset.done $0x0  }
0xa0: {  	[sflag:s22] =	ssyncadd.s32 s4;
	_ =	sdelay $0x1  }
0xa1: {  	s23 =	simm.s32 $0x1B8B  }
0xa2: {  	_ =	swait.ge [sflag:s23], $0x1  }
0xa3: {  	[sflag:s23] =	ssyncset.done $0x0  }
0xa4: {  	s25 =	simm.s32 $0x1B8E;
	s24 =	sld [smem:$0x3FFE];
	[sflag:s23] =	ssyncadd.s32 $0xFFFFFFFF  }
0xa5: {  	s26 =	simm.s32 $execute0_lowered;
	[smem:$0x3FD2] =	sst s25  }
0xa6: {  	s5 =	sshll.u32 s26, $0x1;
	_ =	strace $0x80000046;
	[dreg:$0x1] =	wrdreg $0xFFFFFFFF  }
0xa7: {  	s28 =	simm.s32 $_size_execute0_lowered;
	s3 =	sadd.s32 s3, s5;
	[dreg:$0x0] =	wrdreg $0x0  }
0xa8: {  	s5 =	sshll.u32 s28, $0x1;
	[dreg:$0x2] =	wrdreg s3  }
0xa9: {  	[dreg:$0x3] =	wrdreg s5  }
0xaa: {  	[dreg:$0x4] =	wrdreg $0xC0  }
0xab: {  	_ =	task [dreg:s7], $0x5FFFF  }
0xac: {  	[dreg:$0x1] =	wrdreg $0xFFFFFFFF  }
0xad: {  	[dreg:$0x0] =	wrdreg $0x60  }
0xae: {  	[dreg:$0x2] =	wrdreg s24  }
0xaf: {  	[dreg:$0x3] =	wrdreg s2  }
0xb0: {  	[dreg:$0x4] =	wrdreg $0x9  }
0xb1: {  	_ =	task.clear_ibuf [dreg:s7], $0x5FFFF;
	_ =	strace $0x90000046  }
0xb2: {  	s29 =	simm.s32 $0x9;
	_ =	strace $0x80000048  }
0xb3: {  	_ =	swait.ge [sflag:s29], $0x1  }
0xb4: {  	[sflag:s29] =	ssyncadd.s32 $0xFFFFFFFF  }
0xb5: {  	_ =	strace $0x90000048  }
0xb6: {  	_ =	sfence  }
0xb7: {  	s30 =	sld [smem:$0x0];
	_ =	sdelay $0x2  }
0xb8: {  	s31 =	sshll.u32 s1, $0xD;
	s1 =	sshrl.u32 s1, $0x2  }
0xb9: {  	s3 =	sand.u32 $0x4000, s31;
	s1 =	sadd.s32 s1, s30  }
0xba: {  	s0 =	sor.u32 s3, s0;
	s1 =	sshll.u32 s1, $0x11  }
0xbb: {  	s0 =	sor.u32 s1, s0  }
0xbc: {  	s0 =	sadd.s32 $0x8F2B, s0  }
0xbd: {  	[sflag:s0] =	ssyncadd.remote.s32 $0x1  }
0xbe: {  	_ =	sfence.sel $0xFFFF  }
0xbf: {  	[dreg:$0x0] =	wrdreg $0xFFFFFFFF;
	(pc) =	sbr.abs _section_cstart, $3  }
0xc0: {  	[dreg:$0x1] =	wrdreg $0xFFFFFFFF  }
0xc1: {  	_ =	task.clear_ibuf [dreg:s7], $0x2FFFF;
	_ =	strace $0x9FFFFFFF  }
0xc2: {  	(tm) =	ssettm $0x7FFFFFFF  }
0xc3: {  	_ =	shalt  }
tec
execute0_lowered:
.L_overlay_start_1:
0x0: {  	(tag) =	ssettag $0x1  }
0x1: {  	s3 =	rddreg [dreg:$0x0];
	s1 =	srdreg.scid  }
0x2: {  	s0 =	stileid.u32;
	s5 =	rddreg [dreg:$0x1];
	s2 =	simm.s32 $0x0  }
0x3: {  	s9 =	simm.s32 $0x5000;
	s10 =	simm.s32 $0x2;
	s11 =	simm.s32 $0x0  }
0x4: {  	s4 =	sand.u32 $0x1, s1;
	s6 =	sshll.u32 s0, $0x1;
	s1 =	rddreg [dreg:$0x2]  }
0x5: {  	[smem:$0x7FF] =	sst s2;
	s6 =	sor.u32 s4, s6;
	s4 =	ssub.s32 $0x2, s4  }
0x6: {  	_ =	strace $0x80000047;
	s7 =	sshll.u32 s6, $0x9;
	s8 =	sshrl.u32 s4, $0x1  }
0x7: {  	s6 =	sshll.u32 s6, $0xB;
	s7 =	sadd.s32 s7, s3;
	s3 =	sadd.s32 $0x4800, s3  }
0x8: {  	s8 =	ssub.s32 s4, s8;
	s5 =	sadd.s32 s5, s6;
	s4 =	sadd.s32 $0x800, s7  }
0x9: {  	s6 =	smax.u32 s8, $0x1;
	s7 =	simm.s32 $0x1000;
	s8 =	simm.s32 $0x1  }
.LBB2_1:
0xa: {  	[tilespmem:s2], [sflag:$0x1] =	stream.linear.gather [hbm4b:s4+s2], $0x1000, $0x38;
	[tilespmem:$0x9000] =	vst v63  }
0xb: {  	_ = 	snop  }
0xc: {  	[tilespmem:s7], [sflag:$0x1] =	stream.linear.gather [hbm4b:s3+s2], $0x4000, $0x38;
	[tilespmem:$0x9000] =	vst v63  }
0xd: {  	_ =	swait.ge [sflag:s8], $0x1000  }
0xe: {  	[sflag:s8] =	ssyncset.done $0x0  }
0xf: {  	[sflag:s8] =	ssyncadd.s32 $0xFFFFF000  }
0x10: {  	_ =	swait.ge [sflag:s8], $0x4000  }
0x11: {  	[sflag:s8] =	ssyncset.done $0x0  }
0x12: {  	s12 =	simm.s32 $0x1040;
	[sflag:s8] =	ssyncadd.s32 $0xFFFFC000  }
0x13: {  	v0 =	vld [tilespmem:s12+$0x30]  }
0x14: {  	v1 =	vld [tilespmem:s12+$0xFFFFFFD0]  }
0x15: {  	v2 =	vld [tilespmem:s12+$0xFFFFFFE0]  }
0x16: {  	v3 =	vld [tilespmem:s12+$0xFFFFFFF0]  }
0x17: {  	v4 =	vld [tilespmem:s12+$0x0]  }
0x18: {  	v5 =	vld [tilespmem:s12+$0x10]  }
0x19: {  	v9 =	vld [tilespmem:s12+$0x20]  }
0x1a: {  	v11 =	vld [tilespmem:s12+$0xFFFFFFC0];
	v6 =	vand.u32 $0xFFF, v0  }
0x1b: {  	v7 =	vshrl.u32 v1, $0xC;
	v8 =	vand.u32 $0xFFF, v1;
	v10 =	vshrl.u32 v0, $0xC  }
0x1c: {  	v12 =	vshrl.u32 v2, $0xC;
	v13 =	vand.u32 $0xFFF, v2;
	v14 =	vshrl.u32 v3, $0xC  }
0x1d: {  	v15 =	vand.u32 $0xFFF, v3;
	v16 =	vshrl.u32 v4, $0xC;
	v17 =	vand.u32 $0xFFF, v4  }
0x1e: {  	v18 =	vshrl.u32 v5, $0xC;
	v19 =	vand.u32 $0xFFF, v5;
	v20 =	vshrl.u32 v9, $0xC  }
0x1f: {  	v21 =	vand.u32 $0xFFF, v9;
	v22 =	vshrl.u32 v11, $0xC;
	v23 =	vand.u32 $0xFFF, v11  }
0x20: {  	v24 =	vand.u32 $0x8000000, v11;
	v26 =	vshll.u32 v0, $0x7;
	v27 =	vand.u32 $0x8000000, v0  }
0x21: {  	v28 =	vshll.u32 v0, $0x6;
	v0 =	vand.u32 $0x4000000, v0;
	v47 =	vand.u32 $0x8000000, v2  }
0x22: {  	v48 =	vand.u32 $0x8000000, v4;
	v50 =	vshll.u32 v2, $0x6;
	v51 =	vand.u32 $0x4000000, v2  }
0x23: {  	v52 =	vshll.u32 v3, $0x6;
	v29 =	vand.u32 $0x4000000, v3;
	v30 =	vshll.u32 v4, $0x6  }
0x24: {  	v31 =	vand.u32 $0x4000000, v4;
	v32 =	vshll.u32 v5, $0x6;
	v33 =	vand.u32 $0x4000000, v5  }
0x25: {  	v35 =	vshll.u32 v9, $0x6;
	v56 =	vshll.u32 v1, $0x7;
	v57 =	vshll.u32 v2, $0x7  }
0x26: {  	v59 =	vshll.u32 v3, $0x7;
	v60 =	vshll.u32 v4, $0x7;
	v61 =	vshll.u32 v5, $0x7  }
0x27: {  	v10 =	vand.u32 $0xFFF, v10;
	v7 =	vand.u32 $0xFFF, v7;
	v12 =	vand.u32 $0xFFF, v12  }
0x28: {  	v14 =	vand.u32 $0xFFF, v14;
	v16 =	vand.u32 $0xFFF, v16;
	v18 =	vand.u32 $0xFFF, v18;
	v6 =	vld.idx.msk [tilespmem:v6+s2+$0x0], $0xffff  }
0x29: {  	v22 =	vand.u32 $0xFFF, v22;
	v25 =	vand.u32 $0xFFF, v20;
	v20 =	vand.u32 $0x8000000, v1;
	v8 =	vld.idx.msk [tilespmem:v8+s2+$0x0], $0xffff  }
0x2a: {  	vm0 =	veq.s32 v27, $0x0;
	v46 =	vshra.s32 v28, $0x1F;
	vm1 =	veq.s32 v0, $0x0;
	v13 =	vld.idx.msk [tilespmem:v13+s2+$0x0], $0xffff  }
0x2b: {  	v26 =	vshra.s32 v26, $0x1F;
	vm14 =	veq.s32 v24, $0x0;
	vm2 =	veq.s32 v47, $0x0;
	v15 =	vld.idx.msk [tilespmem:v15+s2+$0x0], $0xffff  }
0x2c: {  	vm4 =	veq.s32 v48, $0x0;
	vm11 =	veq.s32 v51, $0x0;
	vm12 =	veq.s32 v29, $0x0;
	v17 =	vld.idx.msk [tilespmem:v17+s2+$0x0], $0xffff  }
0x2d: {  	v53 =	vshra.s32 v30, $0x1F;
	vm13 =	veq.s32 v31, $0x0;
	v54 =	vshra.s32 v32, $0x1F;
	v10 =	vld.idx.msk [tilespmem:v10+s2+$0x0], $0xffff  }
0x2e: {  	v55 =	vshra.s32 v35, $0x1F;
	vm15 =	veq.s32 v20, $0x0;
	v20 =	vshll.u32 v1, $0x6;
	v42 =	vld.idx.msk [tilespmem:v12+s2+$0x0], $0xffff  }
0x2f: {  	v62 =	vld.idx.msk [tilespmem:v16+s2+$0x0], $0xffff;
	v16 =	vshra.s32 v57, $0x1F;
	v12 =	vshra.s32 v59, $0x1F;
	v0 =	vsel vm0, $0x0, v6  }
0x30: {  	v6 =	vsel vm1, $0x0, v6;
	v36 =	vsel vm15, $0x0, v8;
	v37 =	vsel vm2, $0x0, v13  }
0x31: {  	v39 =	vsel vm4, $0x0, v17;
	v4 =	vsel vm12, $0x0, v15;
	v0 =	vxor.u32 v46, v0  }
0x32: {  	v19 =	vld.idx.msk [tilespmem:v19+s2+$0x0], $0xffff;
	v6 =	vxor.u32 v26, v6;
	v24 =	vxor.u32 v53, v39;
	v0 =	vand.u32 v10, v0  }
0x33: {  	v21 =	vld.idx.msk [tilespmem:v21+s2+$0x0], $0xffff;
	v10 =	vand.u32 $0x8000000, v3;
	v49 =	vxor.u32 v0, v6;
	v0 =	vand.u32 $0x8000000, v5  }
0x34: {  	v6 =	vand.u32 $0x8000000, v9;
	vm3 =	veq.s32 v10, $0x0;
	v10 =	vld.idx.msk [tilespmem:v23+s2+$0x0], $0xffff;
	v23 =	vand.u32 $0x4000000, v1  }
0x35: {  	v5 =	vsel vm11, $0x0, v13;
	v1 =	vsel vm13, $0x0, v17;
	v13 =	vshra.s32 v60, $0x1F  }
0x36: {  	vm5 =	veq.s32 v0, $0x0;
	vm6 =	veq.s32 v6, $0x0;
	v0 =	vshll.u32 v11, $0x6  }
0x37: {  	v58 =	vld.idx.msk [tilespmem:v7+s2+$0x0], $0xffff;
	v6 =	vand.u32 $0x4000000, v11;
	v38 =	vsel vm3, $0x0, v15;
	vm10 =	veq.s32 v23, $0x0  }
0x38: {  	v63 =	vld.idx.msk [tilespmem:v18+s2+$0x0], $0xffff;
	v23 =	vshra.s32 v52, $0x1F;
	v11 =	vshll.u32 v11, $0x7;
	v0 =	vshra.s32 v0, $0x1F  }
0x39: {  	v40 =	vsel vm5, $0x0, v19;
	v41 =	vsel vm6, $0x0, v21;
	vm9 =	veq.s32 v6, $0x0  }
0x3a: {  	v6 =	vshra.s32 v20, $0x1F;
	v20 =	vshra.s32 v50, $0x1F;
	v23 =	vxor.u32 v23, v38  }
0x3b: {  	v14 =	vld.idx.msk [tilespmem:v14+s2+$0x0], $0xffff;
	v7 =	vsel vm10, $0x0, v8;
	v15 =	vshra.s32 v11, $0x1F;
	v36 =	vxor.u32 v6, v36  }
0x3c: {  	v37 =	vxor.u32 v20, v37;
	v26 =	vxor.u32 v54, v40;
	v20 =	vshra.s32 v56, $0x1F  }
0x3d: {  	v22 =	vld.idx.msk [tilespmem:v22+s2+$0x0], $0xffff;
	v18 =	vand.u32 v58, v36;
	v17 =	vand.u32 v42, v37;
	v11 =	vand.u32 v63, v26  }
0x3e: {  	v8 =	vld.idx.msk [tilespmem:v25+s2+$0x0], $0xffff;
	v34 =	vsel vm14, $0x0, v10;
	vm14 =	veq.s32 v33, $0x0;
	v6 =	vsel vm9, $0x0, v10  }
0x3f: {  	v10 =	vshra.s32 v61, $0x1F;
	v34 =	vxor.u32 v0, v34;
	v0 =	vand.u32 $0x4000000, v9  }
0x40: {  	v9 =	vshll.u32 v9, $0x7;
	v3 =	vsel vm14, $0x0, v19;
	v19 =	vand.u32 v14, v23  }
0x41: {  	s12 =	simm.s32 $0x5040;
	v14 =	vand.u32 v62, v24;
	vm15 =	veq.s32 v0, $0x0;
	v0 =	vxor.u32 v55, v41  }
0x42: {  	s13 =	simm.s32 $0x0;
	s14 =	simm.s32 $0x10C0;
	[tilespmem:s12+$0x30] =	vst v49;
	v9 =	vshra.s32 v9, $0x1F;
	v2 =	vsel vm15, $0x0, v21;
	v21 =	vand.u32 v22, v34  }
.LBB2_2:
0x43: {  	v22 =	vld [tilespmem:s14+$0x30];
	s13 =	sadd.s32 $0x8, s13;
	v6 =	vxor.u32 v15, v6;
	v7 =	vxor.u32 v20, v7;
	v8 =	vand.u32 v8, v0  }
0x44: {  	v5 =	vxor.u32 v16, v5;
	v4 =	vxor.u32 v12, v4;
	v12 =	vxor.u32 v13, v1;
	v0 =	vld [tilespmem:s14+$0xFFFFFFD0];
	p0 =	slt.u32 s13, $0x3F8  }
0x45: {  	v10 =	vxor.u32 v10, v3;
	v9 =	vxor.u32 v9, v2;
	v6 =	vxor.u32 v21, v6;
	v1 =	vld [tilespmem:s14+$0xFFFFFFE0]  }
0x46: {  	v5 =	vxor.u32 v17, v5;
	v2 =	vld [tilespmem:s14+$0xFFFFFFF0];
	[tilespmem:s12+$0xFFFFFFC0] =	vst v6;
	v6 =	vxor.u32 v18, v7;
	v7 =	vxor.u32 v19, v4  }
0x47: {  	v12 =	vxor.u32 v14, v12;
	v10 =	vxor.u32 v11, v10;
	v8 =	vxor.u32 v8, v9;
	v3 =	vld [tilespmem:s14+$0x0];
	[tilespmem:s12+$0xFFFFFFD0] =	vst v6  }
0x48: {  	v4 =	vld [tilespmem:s14+$0x10];
	v9 =	vand.u32 $0xFFF, v22;
	[tilespmem:s12+$0xFFFFFFE0] =	vst v5  }
0x49: {  	v14 =	vshrl.u32 v22, $0xC;
	v11 =	vshrl.u32 v0, $0xC;
	v13 =	vand.u32 $0xFFF, v0;
	v5 =	vld [tilespmem:s14+$0x20];
	[tilespmem:s12+$0xFFFFFFF0] =	vst v7  }
0x4a: {  	v14 =	vand.u32 $0xFFF, v14;
	v6 =	vld [tilespmem:s14+$0xFFFFFFC0];
	v7 =	vshrl.u32 v1, $0xC;
	v15 =	vand.u32 $0xFFF, v1;
	[tilespmem:s12+$0x0] =	vst v12  }
0x4b: {  	v11 =	vand.u32 $0xFFF, v11;
	v12 =	vshrl.u32 v2, $0xC;
	v16 =	vand.u32 $0xFFF, v2;
	[tilespmem:s12+$0x10] =	vst v10  }
0x4c: {  	v10 =	vand.u32 $0xFFF, v7;
	v17 =	vshrl.u32 v3, $0xC;
	v18 =	vand.u32 $0xFFF, v3;
	[tilespmem:s12+$0x20] =	vst v8  }
0x4d: {  	v8 =	vand.u32 $0xFFF, v12;
	v12 =	vshrl.u32 v4, $0xC;
	v19 =	vand.u32 $0xFFF, v4;
	v9 =	vld.idx.msk [tilespmem:v9+s2+$0x0], $0xffff  }
0x4e: {  	v7 =	vld.idx.msk [tilespmem:v13+s2+$0x0], $0xffff;
	v13 =	vand.u32 $0xFFF, v17;
	v17 =	vshrl.u32 v5, $0xC;
	v20 =	vand.u32 $0xFFF, v5  }
0x4f: {  	v12 =	vand.u32 $0xFFF, v12;
	v21 =	vshrl.u32 v6, $0xC;
	v23 =	vand.u32 $0xFFF, v6;
	v14 =	vld.idx.msk [tilespmem:v14+s2+$0x0], $0xffff  }
0x50: {  	v24 =	vand.u32 $0x8000000, v6;
	v17 =	vand.u32 $0xFFF, v17;
	v21 =	vand.u32 $0xFFF, v21;
	v15 =	vld.idx.msk [tilespmem:v15+s2+$0x0], $0xffff  }
0x51: {  	v26 =	vshll.u32 v22, $0x7;
	v27 =	vand.u32 $0x8000000, v22;
	v25 =	vand.u32 $0x8000000, v0;
	v16 =	vld.idx.msk [tilespmem:v16+s2+$0x0], $0xffff  }
0x52: {  	v28 =	vshll.u32 v22, $0x6;
	v22 =	vand.u32 $0x4000000, v22;
	vm0 =	veq.s32 v27, $0x0;
	v18 =	vld.idx.msk [tilespmem:v18+s2+$0x0], $0xffff  }
0x53: {  	v27 =	vshra.s32 v28, $0x1F;
	vm1 =	veq.s32 v22, $0x0;
	v22 =	vsel vm0, $0x0, v9;
	v19 =	vld.idx.msk [tilespmem:v19+s2+$0x0], $0xffff  }
0x54: {  	v26 =	vshra.s32 v26, $0x1F;
	v9 =	vsel vm1, $0x0, v9;
	v22 =	vxor.u32 v27, v22;
	v23 =	vld.idx.msk [tilespmem:v23+s2+$0x0], $0xffff  }
0x55: {  	v27 =	vand.u32 $0x8000000, v1;
	v9 =	vxor.u32 v26, v9;
	v14 =	vand.u32 v14, v22;
	v20 =	vld.idx.msk [tilespmem:v20+s2+$0x0], $0xffff  }
0x56: {  	s12 =	sadd.s32 $0x80, s12;
	v26 =	vand.u32 $0x8000000, v3;
	v22 =	vand.u32 $0x8000000, v2;
	v9 =	vxor.u32 v14, v9;
	v21 =	vld.idx.msk [tilespmem:v21+s2+$0x0], $0xffff  }
0x57: {  	vm0 =	veq.s32 v24, $0x0;
	v24 =	vand.u32 $0x8000000, v5;
	v14 =	vand.u32 $0x8000000, v4;
	v11 =	vld.idx.msk [tilespmem:v11+s2+$0x0], $0xffff;
	[tilespmem:s12+$0x30] =	vst v9  }
0x58: {  	vm1 =	veq.s32 v25, $0x0;
	vm2 =	veq.s32 v27, $0x0;
	vm3 =	veq.s32 v22, $0x0;
	v25 =	vld.idx.msk [tilespmem:v10+s2+$0x0], $0xffff  }
0x59: {  	vm6 =	veq.s32 v24, $0x0;
	vm4 =	veq.s32 v26, $0x0;
	vm5 =	veq.s32 v14, $0x0;
	v22 =	vld.idx.msk [tilespmem:v8+s2+$0x0], $0xffff  }
0x5a: {  	v14 =	vshll.u32 v0, $0x6;
	v9 =	vshll.u32 v6, $0x6;
	v10 =	vand.u32 $0x4000000, v6;
	v24 =	vld.idx.msk [tilespmem:v13+s2+$0x0], $0xffff  }
0x5b: {  	v26 =	vshll.u32 v1, $0x6;
	v27 =	vand.u32 $0x4000000, v1;
	v13 =	vand.u32 $0x4000000, v0;
	v28 =	vld.idx.msk [tilespmem:v12+s2+$0x0], $0xffff  }
0x5c: {  	v29 =	vand.u32 $0x4000000, v2;
	v30 =	vshll.u32 v3, $0x6;
	v12 =	vshll.u32 v2, $0x6;
	v8 =	vld.idx.msk [tilespmem:v17+s2+$0x0], $0xffff  }
0x5d: {  	v31 =	vshll.u32 v4, $0x6;
	v32 =	vand.u32 $0x4000000, v4;
	v17 =	vand.u32 $0x4000000, v3  }
0x5e: {  	v34 =	vshll.u32 v5, $0x6;
	v35 =	vand.u32 $0x4000000, v5;
	v33 =	vsel vm0, $0x0, v23  }
0x5f: {  	v36 =	vsel vm1, $0x0, v7;
	v37 =	vsel vm2, $0x0, v15;
	v38 =	vsel vm3, $0x0, v16  }
0x60: {  	v39 =	vsel vm4, $0x0, v18;
	v40 =	vsel vm5, $0x0, v19;
	v41 =	vsel vm6, $0x0, v20  }
0x61: {  	v9 =	vshra.s32 v9, $0x1F;
	vm0 =	veq.s32 v10, $0x0;
	v10 =	vshra.s32 v14, $0x1F  }
0x62: {  	vm1 =	veq.s32 v27, $0x0;
	vm2 =	veq.s32 v13, $0x0;
	v13 =	vshra.s32 v26, $0x1F  }
0x63: {  	vm3 =	veq.s32 v29, $0x0;
	v14 =	vshra.s32 v30, $0x1F;
	v12 =	vshra.s32 v12, $0x1F  }
0x64: {  	vm5 =	veq.s32 v32, $0x0;
	vm4 =	veq.s32 v17, $0x0;
	v17 =	vshra.s32 v31, $0x1F  }
0x65: {  	v27 =	vshra.s32 v34, $0x1F;
	vm6 =	veq.s32 v35, $0x0;
	v26 =	vshll.u32 v6, $0x7  }
0x66: {  	v29 =	vshll.u32 v0, $0x7;
	v30 =	vshll.u32 v1, $0x7;
	v31 =	vshll.u32 v2, $0x7  }
0x67: {  	v34 =	vshll.u32 v4, $0x7;
	v32 =	vshll.u32 v3, $0x7;
	v35 =	vshll.u32 v5, $0x7  }
0x68: {  	v33 =	vxor.u32 v9, v33;
	v36 =	vxor.u32 v10, v36;
	v37 =	vxor.u32 v13, v37  }
0x69: {  	v14 =	vxor.u32 v14, v39;
	v38 =	vxor.u32 v12, v38;
	v39 =	vxor.u32 v17, v40  }
0x6a: {  	v6 =	vsel vm0, $0x0, v23;
	v0 =	vxor.u32 v27, v41;
	v7 =	vsel vm2, $0x0, v7  }
0x6b: {  	v4 =	vsel vm3, $0x0, v16;
	v5 =	vsel vm1, $0x0, v15;
	v1 =	vsel vm4, $0x0, v18  }
.Ltmp0:
0x6c: {  	v15 =	vshra.s32 v26, $0x1F;
	v3 =	vsel vm5, $0x0, v19;
	v2 =	vsel vm6, $0x0, v20;
	(pc) =	sbr.rel @p0 .LBB2_2-.Ltmp0, $4  }
0x6d: {  	v16 =	vshra.s32 v30, $0x1F;
	v20 =	vshra.s32 v29, $0x1F;
	v12 =	vshra.s32 v31, $0x1F  }
0x6e: {  	v10 =	vshra.s32 v34, $0x1F;
	v9 =	vshra.s32 v35, $0x1F;
	v13 =	vshra.s32 v32, $0x1F  }
0x6f: {  	v21 =	vand.u32 v21, v33;
	v18 =	vand.u32 v11, v36;
	v17 =	vand.u32 v25, v37  }
0x70: {  	s14 =	sadd.s32 $0x80, s14;
	v19 =	vand.u32 v22, v38;
	v14 =	vand.u32 v24, v14;
	v11 =	vand.u32 v28, v39  }
0x71: {  	v6 =	vxor.u32 v15, v6  }
0x72: {  	v7 =	vxor.u32 v20, v7;
	v6 =	vxor.u32 v21, v6  }
0x73: {  	v5 =	vxor.u32 v16, v5;
	v63 =	vxor.u32 v18, v7;
	[tilespmem:s12+$0xFFFFFFC0] =	vst v6  }
0x74: {  	v4 =	vxor.u32 v12, v4;
	v5 =	vxor.u32 v17, v5;
	[tilespmem:s12+$0xFFFFFFD0] =	vst v63  }
0x75: {  	v1 =	vxor.u32 v13, v1;
	v4 =	vxor.u32 v19, v4;
	[tilespmem:s12+$0xFFFFFFE0] =	vst v5  }
0x76: {  	v3 =	vxor.u32 v10, v3;
	v1 =	vxor.u32 v14, v1;
	[tilespmem:s12+$0xFFFFFFF0] =	vst v4  }
0x77: {  	v0 =	vand.u32 v8, v0;
	v2 =	vxor.u32 v9, v2;
	s11 =	sadd.s32 $0x1, s11;
	v3 =	vxor.u32 v11, v3;
	[tilespmem:s12+$0x0] =	vst v1  }
0x78: {  	v0 =	vxor.u32 v0, v2;
	p0 =	sne.s32 s11, s6;
	[tilespmem:s12+$0x10] =	vst v3  }
.Ltmp1:
0x79: {  	[tilespmem:s12+$0x20] =	vst v0;
	(pc) =	sbr.rel @p0 .LBB2_1-.Ltmp1, $4  }
0x7a: {  	[hbm4b:s5+s2] =	stream.linear.scatter [tilespmem:s9], [sflag:$0x2], $0x4000, $0x38;
	[tilespmem:$0x9000] =	vst v63  }
0x7b: {  	_ =	swait.ge [sflag:s10], $0x4000  }
0x7c: {  	[sflag:s10] =	ssyncset.done $0x0  }
0x7d: {  	[sflag:s10] =	ssyncadd.s32 $0xFFFFC000  }
0x7e: {  	_ =	sfence.sel $0x180000  }
0x7f: {  	[bflag:$0x0] =	sbarrier.arrive $0xFFFF  }
0x80: {  	p0 =	sne.s32 s0, $0x0;
	_ =	strace $0x90000047  }
0x81: {  	s0 =	sadd.s32 @!p0 $0x100000, s1;
	[bflag:$0x2] =	sbarrier.arrive $0xFFFF  }
0x82: {  	[sflag:s0] =	ssyncadd.tile.s32 @!p0 $0x1;
	_ =	shalt  }
.Lfunc_end2:
_tile_overlayer_lowered:
.L_overlay_start_2:
0x83: {  	(tag) =	ssettag $0x2  }
0x84: {  	s0 =	rddreg [dreg:$0x0];
	s2 =	stileid.u32  }
0x85: {  	s1 =	rddreg [dreg:$0x1];
	p0 =	sne.s32 s2, $0x0  }
0x86: {  	s3 =	rddreg [dreg:$0x2];
	[bflag:$0x3] =	sbarrier.arrive $0xFFFF;
	s2 =	simm.s32 @!p0 $0x1C02  }
0x87: {  	[timem:s3], [sflag:s2] =	dma.local @!p0 [hbm:s0], s1  }
0x88: {  	s0 =	simm.s32 @!p0 $0x2  }
0x89: {  	_ =	swait.ge @!p0 [sflag:s0], s1  }
0x8a: {  	s1 =	ssub.s32 @!p0 $0x0, s1;
	[sflag:s0] =	ssyncset.done @!p0 $0x0  }
0x8b: {  	[sflag:s0] =	ssyncadd.s32 @!p0 s1  }
0x8c: {  	[bflag:$0x3] =	sbarrier.arrive $0xFFFF  }
0x8d: {  	_ =	shalt  }

</sc_bundles>
